<compile_context>
chip_gen: v7x
topology: tpu7x:2x2x1
jax: 0.10.2.dev20260603
libtpu: 0.0.44.dev20260713+nightly
codegen_flags: <defaults>
</compile_context>

<pallas_src>
import functools
import jax
import jax.numpy as jnp
from jax import lax
from jax.experimental import pallas as pl
from jax.experimental.pallas import tpu as pltpu
from jax.experimental.pallas import tpu_sc as plsc

THR = 0.9
_CH = 10000


def kernel(nidx, score, specweights, tidxs):
    V, K = nidx.shape
    nidx_flat = jnp.ravel(nidx.T)
    score_flat = jnp.ravel(jnp.transpose(score, (1, 2, 0)))
    info = plsc.get_sparse_core_info()
    nc, ns = info.num_cores, info.num_subcores
    nw = nc * ns
    rows_per_w = K // nw
    nch = V // _CH

    mesh = plsc.VectorSubcoreMesh(core_axis_name="c", subcore_axis_name="s")

    @functools.partial(
        pl.kernel,
        mesh=mesh,
        out_type=jax.ShapeDtypeStruct((K * V,), jnp.int32),
        scratch_types=[
            pltpu.VMEM((_CH,), jnp.int32),
            pltpu.VMEM((_CH,), jnp.float32),
            pltpu.VMEM((_CH,), jnp.int32),
        ],
    )
    def sc_run(nidx_hbm, score_hbm, out_hbm, nbuf, sbuf, obuf):
        wid = lax.axis_index("s") * nc + lax.axis_index("c")
        for r in range(rows_per_w):
            k = wid * rows_per_w + r

            def chunk_body(c, _):
                off = c * _CH

                @pl.when(k == 0)
                def _copy_row():
                    pltpu.sync_copy(nidx_hbm.at[pl.ds(k * V + off, _CH)], obuf)

                @pl.when(k > 0)
                def _mask_row():
                    pltpu.sync_copy(nidx_hbm.at[pl.ds(k * V + off, _CH)], nbuf)
                    pltpu.sync_copy(
                        score_hbm.at[pl.ds((k - 1) * V + off, _CH)], sbuf)

                    def vec_body(i, _):
                        s = sbuf[pl.ds(i * 16, 16)]
                        n = nbuf[pl.ds(i * 16, 16)]
                        obuf[pl.ds(i * 16, 16)] = jnp.where(
                            s >= THR, n, jnp.full((16,), -1, jnp.int32))
                        return 0

                    lax.fori_loop(0, _CH // 16, vec_body, 0)

                pltpu.sync_copy(obuf, out_hbm.at[pl.ds(k * V + off, _CH)])
                return 0

            lax.fori_loop(0, nch, chunk_body, 0)

    out_flat = sc_run(nidx_flat, score_flat)
    return out_flat.reshape(K, V).T

# --- scband reference (transcript-rebuilt; emitter-appended) ---
"""Pipeline reference for scband-edge-selector-62904091018194 (READ-ONLY COPY).

The authoritative reference and input builder live on the scoring server;
editing this copy changes nothing except your own understanding.
"""

import jax, jax.numpy as jnp
import numpy as np

THRESHOLD = 0.9

def setup_inputs(seed: int = 0) -> dict:
    key = jax.random.key(seed)
    k1, k2, k3, k4 = jax.random.split(key, 4)
    V, K = 100000, 64
    nidx = jax.random.randint(k1, (V, K), 0, V, dtype=jnp.int64 if jax.config.jax_enable_x64 else jnp.int32).astype(jnp.int32)
    score = jax.random.uniform(k2, (V, K - 1, 1), dtype=jnp.float32)
    specweights = jax.random.uniform(k3, (V, 1), dtype=jnp.float32)
    tidxs = jax.random.randint(k4, (V, 1), 0, 5000).astype(jnp.int32)
    return {"nidx": nidx, "score": score, "specweights": specweights, "tidxs": tidxs}

def reference(nidx, score, specweights, tidxs):
    # EdgeSelector.call with loss_enabled=False (default):
    # prepend a column of ones (self-edge always kept), then mask neighbours
    # whose edge score is below threshold with -1.
    ones = jnp.ones_like(score[:, 0:1, :])
    score_full = jnp.concatenate([ones, score], axis=1)  # (V, K, 1)
    selected = jnp.where(score_full[:, :, 0] < THRESHOLD, -1, nidx)
    return selected

if __name__ == "__main__":
    import jax
    _d = setup_inputs()
    print(jax.jit(kernel)(*tuple(_d.values())))

</pallas_src>

<mosaic_0001>
#map = affine_map<(d0, d1) -> (0)>
module attributes {stable_mosaic.version = 14 : i64} {
  func.func @sc_run(%arg0: i32, %arg1: i32, %arg2: memref<6400000xi32, #tpu.memory_space<hbm>>, %arg3: memref<6300000xf32, #tpu.memory_space<hbm>>, %arg4: memref<6400000xi32, #tpu.memory_space<hbm>>, %arg5: memref<10000xi32, #tpu.memory_space<vmem>>, %arg6: memref<10000xf32, #tpu.memory_space<vmem>>, %arg7: memref<10000xi32, #tpu.memory_space<vmem>>) attributes {dimension_semantics = [#tpu.dimension_semantics<core_parallel>, #tpu.dimension_semantics<subcore_parallel>], iteration_bounds = array<i64: 2, 16>, scalar_prefetch = 0 : i64, scratch_operands = 3 : i64, tpu.core_type = #tpu.core_type<sc_vector_subcore>, window_params = [{transform_indices = #map}, {transform_indices = #map}, {transform_indices = #map}]} {
    %mul3A = arith.constant 2 : i32
    %mul3A_0 = arith.muli %arg1, %mul3A : i32
    %add3A = arith.addi %mul3A_0, %arg0 : i32
    %mul3A_1 = arith.constant 2 : i32
    %mul3A_2 = arith.muli %add3A, %mul3A_1 : i32
    %add3A_3 = arith.constant 0 : i32
    %add3A_4 = arith.addi %mul3A_2, %add3A_3 : i32
    %scan3A = arith.constant 0 : i32
    %scan3A_5 = arith.constant 0 : i32
    %scan3A_6 = arith.constant 10 : i32
    %scan3A_7 = arith.addi %scan3A_5, %scan3A_6 : i32
    %scan3A_8 = arith.constant 1 : i32
    %scan3A_9 = scf.for %scan3A_22 = %scan3A_5 to %scan3A_7 step %scan3A_8 iter_args(%scan3A_23 = %scan3A) -> (i32)  : i32 {
      %mul3A_24 = arith.constant 10000 : i32
      %mul3A_25 = arith.muli %scan3A_22, %mul3A_24 : i32
      %eq3A = arith.constant 0 : i32
      %eq3A_26 = arith.cmpi eq, %add3A_4, %eq3A : i32
      %convert_element_type3A = arith.extui %eq3A_26 : i1 to i32
      %cond3A = arith.constant 0 : i32
      %cond3A_27 = arith.cmpi ne, %convert_element_type3A, %cond3A : i32
      scf.if %cond3A_27 {
        %mul3A_36 = arith.constant 100000 : i32
        %mul3A_37 = arith.muli %add3A_4, %mul3A_36 : i32
        %add3A_38 = arith.addi %mul3A_37, %mul3A_25 : i32
        "tpu.region"() ({
          %run_scoped3A = tpu.sem_alloc : memref<!tpu.dma_semaphore, #tpu.memory_space<semaphore_mem>>
          %dma_start3A = tpu.memref_slice %arg2[%add3A_38] : memref<6400000xi32, #tpu.memory_space<hbm>> -> memref<10000xi32, #tpu.memory_space<hbm>>
          %dma_start3A_39 = tpu.memref_slice %arg2[%add3A_38] : memref<6400000xi32, #tpu.memory_space<hbm>> -> memref<10000xi32, #tpu.memory_space<hbm>>
          tpu.enqueue_dma source(%dma_start3A_39 : memref<10000xi32, #tpu.memory_space<hbm>>) target(%arg7 : memref<10000xi32, #tpu.memory_space<vmem>>) target_semaphore(%run_scoped3A : memref<!tpu.dma_semaphore, #tpu.memory_space<semaphore_mem>>)
          %dma_wait3A = tpu.memref_slice %arg2[%add3A_38] : memref<6400000xi32, #tpu.memory_space<hbm>> -> memref<10000xi32, #tpu.memory_space<hbm>>
          %dma_wait3A_40 = tpu.memref_slice %arg2[%add3A_38] : memref<6400000xi32, #tpu.memory_space<hbm>> -> memref<10000xi32, #tpu.memory_space<hbm>>
          tpu.wait_dma2 semaphore(%run_scoped3A : memref<!tpu.dma_semaphore, #tpu.memory_space<semaphore_mem>>) src(%dma_wait3A_40 : memref<10000xi32, #tpu.memory_space<hbm>>) dst(%arg7 : memref<10000xi32, #tpu.memory_space<vmem>>)
          tpu.yield
        }) : () -> ()
      } else {
      }
      %gt3A = arith.constant 0 : i32
      %gt3A_28 = arith.cmpi sgt, %add3A_4, %gt3A : i32
      %convert_element_type3A_29 = arith.extui %gt3A_28 : i1 to i32
      %cond3A_30 = arith.constant 0 : i32
      %cond3A_31 = arith.cmpi ne, %convert_element_type3A_29, %cond3A_30 : i32
      scf.if %cond3A_31 {
        %mul3A_36 = arith.constant 100000 : i32
        %mul3A_37 = arith.muli %add3A_4, %mul3A_36 : i32
        %add3A_38 = arith.addi %mul3A_37, %mul3A_25 : i32
        "tpu.region"() ({
          %run_scoped3A = tpu.sem_alloc : memref<!tpu.dma_semaphore, #tpu.memory_space<semaphore_mem>>
          %dma_start3A = tpu.memref_slice %arg2[%add3A_38] : memref<6400000xi32, #tpu.memory_space<hbm>> -> memref<10000xi32, #tpu.memory_space<hbm>>
          %dma_start3A_50 = tpu.memref_slice %arg2[%add3A_38] : memref<6400000xi32, #tpu.memory_space<hbm>> -> memref<10000xi32, #tpu.memory_space<hbm>>
          tpu.enqueue_dma source(%dma_start3A_50 : memref<10000xi32, #tpu.memory_space<hbm>>) target(%arg5 : memref<10000xi32, #tpu.memory_space<vmem>>) target_semaphore(%run_scoped3A : memref<!tpu.dma_semaphore, #tpu.memory_space<semaphore_mem>>)
          %dma_wait3A = tpu.memref_slice %arg2[%add3A_38] : memref<6400000xi32, #tpu.memory_space<hbm>> -> memref<10000xi32, #tpu.memory_space<hbm>>
          %dma_wait3A_51 = tpu.memref_slice %arg2[%add3A_38] : memref<6400000xi32, #tpu.memory_space<hbm>> -> memref<10000xi32, #tpu.memory_space<hbm>>
          tpu.wait_dma2 semaphore(%run_scoped3A : memref<!tpu.dma_semaphore, #tpu.memory_space<semaphore_mem>>) src(%dma_wait3A_51 : memref<10000xi32, #tpu.memory_space<hbm>>) dst(%arg5 : memref<10000xi32, #tpu.memory_space<vmem>>)
          tpu.yield
        }) : () -> ()
        %sub3A = arith.constant 1 : i32
        %sub3A_39 = arith.subi %add3A_4, %sub3A : i32
        %mul3A_40 = arith.constant 100000 : i32
        %mul3A_41 = arith.muli %sub3A_39, %mul3A_40 : i32
        %add3A_42 = arith.addi %mul3A_41, %mul3A_25 : i32
        "tpu.region"() ({
          %run_scoped3A = tpu.sem_alloc : memref<!tpu.dma_semaphore, #tpu.memory_space<semaphore_mem>>
          %dma_start3A = tpu.memref_slice %arg3[%add3A_42] : memref<6300000xf32, #tpu.memory_space<hbm>> -> memref<10000xf32, #tpu.memory_space<hbm>>
          %dma_start3A_50 = tpu.memref_slice %arg3[%add3A_42] : memref<6300000xf32, #tpu.memory_space<hbm>> -> memref<10000xf32, #tpu.memory_space<hbm>>
          tpu.enqueue_dma source(%dma_start3A_50 : memref<10000xf32, #tpu.memory_space<hbm>>) target(%arg6 : memref<10000xf32, #tpu.memory_space<vmem>>) target_semaphore(%run_scoped3A : memref<!tpu.dma_semaphore, #tpu.memory_space<semaphore_mem>>)
          %dma_wait3A = tpu.memref_slice %arg3[%add3A_42] : memref<6300000xf32, #tpu.memory_space<hbm>> -> memref<10000xf32, #tpu.memory_space<hbm>>
          %dma_wait3A_51 = tpu.memref_slice %arg3[%add3A_42] : memref<6300000xf32, #tpu.memory_space<hbm>> -> memref<10000xf32, #tpu.memory_space<hbm>>
          tpu.wait_dma2 semaphore(%run_scoped3A : memref<!tpu.dma_semaphore, #tpu.memory_space<semaphore_mem>>) src(%dma_wait3A_51 : memref<10000xf32, #tpu.memory_space<hbm>>) dst(%arg6 : memref<10000xf32, #tpu.memory_space<vmem>>)
          tpu.yield
        }) : () -> ()
        %scan3A_43 = arith.constant 0 : i32
        %scan3A_44 = arith.constant 0 : i32
        %scan3A_45 = arith.constant 625 : i32
        %scan3A_46 = arith.addi %scan3A_44, %scan3A_45 : i32
        %scan3A_47 = arith.constant 1 : i32
        %scan3A_48 = scf.for %scan3A_50 = %scan3A_44 to %scan3A_46 step %scan3A_47 iter_args(%scan3A_51 = %scan3A_43) -> (i32)  : i32 {
          %mul3A_52 = arith.constant 16 : i32
          %mul3A_53 = arith.muli %scan3A_50, %mul3A_52 : i32
          %get3A = arith.index_cast %mul3A_53 : i32 to index
          %get3A_54 = tpu.vector_load %arg6[%get3A] {strides = array<i32>} : memref<10000xf32, #tpu.memory_space<vmem>>, vector<16xf32>,
          %get3A_55 = vector.shape_cast %get3A_54 : vector<16xf32> to vector<16xf32>
          %mul3A_56 = arith.constant 16 : i32
          %mul3A_57 = arith.muli %scan3A_50, %mul3A_56 : i32
          %get3A_58 = arith.index_cast %mul3A_57 : i32 to index
          %get3A_59 = tpu.vector_load %arg5[%get3A_58] {strides = array<i32>} : memref<10000xi32, #tpu.memory_space<vmem>>, vector<16xi32>,
          %get3A_60 = vector.shape_cast %get3A_59 : vector<16xi32> to vector<16xi32>
          %ge3A = arith.constant 0.899999976 : f32
          %ge3A_61 = vector.broadcast %ge3A : f32 to vector<16xf32>
          %ge3A_62 = arith.cmpf oge, %get3A_55, %ge3A_61 : vector<16xf32>
          %broadcast_in_dim3A = arith.constant -1 : i32
          %broadcast_in_dim3A_63 = vector.broadcast %broadcast_in_dim3A : i32 to vector<16xi32>
          %select_n3A = arith.select %ge3A_62, %get3A_60, %broadcast_in_dim3A_63 : vector<16xi1>, vector<16xi32>
          %mul3A_64 = arith.constant 16 : i32
          %mul3A_65 = arith.muli %scan3A_50, %mul3A_64 : i32
          %swap3A = arith.index_cast %mul3A_65 : i32 to index
          %swap3A_66 = tpu.vector_load %arg7[%swap3A] {strides = array<i32>} : memref<10000xi32, #tpu.memory_space<vmem>>, vector<16xi32>,
          %swap3A_67 = vector.shape_cast %swap3A_66 : vector<16xi32> to vector<16xi32>
          %swap3A_68 = vector.shape_cast %select_n3A : vector<16xi32> to vector<16xi32>
          tpu.vector_store %arg7[%swap3A], %swap3A_68 {strides = array<i32>} : memref<10000xi32, #tpu.memory_space<vmem>>, vector<16xi32>,
          %scan3A_69 = arith.constant 0 : i32
          scf.yield %scan3A_69 : i32
        }
        %scan3A_49 = arith.constant 625 : i32
      } else {
      }
      %mul3A_32 = arith.constant 100000 : i32
      %mul3A_33 = arith.muli %add3A_4, %mul3A_32 : i32
      %add3A_34 = arith.addi %mul3A_33, %mul3A_25 : i32
      "tpu.region"() ({
        %run_scoped3A = tpu.sem_alloc : memref<!tpu.dma_semaphore, #tpu.memory_space<semaphore_mem>>
        %dma_start3A = tpu.memref_slice %arg4[%add3A_34] : memref<6400000xi32, #tpu.memory_space<hbm>> -> memref<10000xi32, #tpu.memory_space<hbm>>
        %dma_start3A_36 = tpu.memref_slice %arg4[%add3A_34] : memref<6400000xi32, #tpu.memory_space<hbm>> -> memref<10000xi32, #tpu.memory_space<hbm>>
        tpu.enqueue_dma source(%arg7 : memref<10000xi32, #tpu.memory_space<vmem>>) target(%dma_start3A_36 : memref<10000xi32, #tpu.memory_space<hbm>>) target_semaphore(%run_scoped3A : memref<!tpu.dma_semaphore, #tpu.memory_space<semaphore_mem>>)
        %dma_wait3A = tpu.memref_slice %arg4[%add3A_34] : memref<6400000xi32, #tpu.memory_space<hbm>> -> memref<10000xi32, #tpu.memory_space<hbm>>
        %dma_wait3A_37 = tpu.memref_slice %arg4[%add3A_34] : memref<6400000xi32, #tpu.memory_space<hbm>> -> memref<10000xi32, #tpu.memory_space<hbm>>
        tpu.wait_dma2 semaphore(%run_scoped3A : memref<!tpu.dma_semaphore, #tpu.memory_space<semaphore_mem>>) src(%arg7 : memref<10000xi32, #tpu.memory_space<vmem>>) dst(%dma_wait3A_37 : memref<10000xi32, #tpu.memory_space<hbm>>)
        tpu.yield
      }) : () -> ()
      %scan3A_35 = arith.constant 0 : i32
      scf.yield %scan3A_35 : i32
    }
    %scan3A_10 = arith.constant 10 : i32
    %mul3A_11 = arith.constant 2 : i32
    %mul3A_12 = arith.muli %add3A, %mul3A_11 : i32
    %add3A_13 = arith.constant 1 : i32
    %add3A_14 = arith.addi %mul3A_12, %add3A_13 : i32
    %scan3A_15 = arith.constant 0 : i32
    %scan3A_16 = arith.constant 0 : i32
    %scan3A_17 = arith.constant 10 : i32
    %scan3A_18 = arith.addi %scan3A_16, %scan3A_17 : i32
    %scan3A_19 = arith.constant 1 : i32
    %scan3A_20 = scf.for %scan3A_22 = %scan3A_16 to %scan3A_18 step %scan3A_19 iter_args(%scan3A_23 = %scan3A_15) -> (i32)  : i32 {
      %mul3A_24 = arith.constant 10000 : i32
      %mul3A_25 = arith.muli %scan3A_22, %mul3A_24 : i32
      %eq3A = arith.constant 0 : i32
      %eq3A_26 = arith.cmpi eq, %add3A_14, %eq3A : i32
      %convert_element_type3A = arith.extui %eq3A_26 : i1 to i32
      %cond3A = arith.constant 0 : i32
      %cond3A_27 = arith.cmpi ne, %convert_element_type3A, %cond3A : i32
      scf.if %cond3A_27 {
        %mul3A_36 = arith.constant 100000 : i32
        %mul3A_37 = arith.muli %add3A_14, %mul3A_36 : i32
        %add3A_38 = arith.addi %mul3A_37, %mul3A_25 : i32
        "tpu.region"() ({
          %run_scoped3A = tpu.sem_alloc : memref<!tpu.dma_semaphore, #tpu.memory_space<semaphore_mem>>
          %dma_start3A = tpu.memref_slice %arg2[%add3A_38] : memref<6400000xi32, #tpu.memory_space<hbm>> -> memref<10000xi32, #tpu.memory_space<hbm>>
          %dma_start3A_39 = tpu.memref_slice %arg2[%add3A_38] : memref<6400000xi32, #tpu.memory_space<hbm>> -> memref<10000xi32, #tpu.memory_space<hbm>>
          tpu.enqueue_dma source(%dma_start3A_39 : memref<10000xi32, #tpu.memory_space<hbm>>) target(%arg7 : memref<10000xi32, #tpu.memory_space<vmem>>) target_semaphore(%run_scoped3A : memref<!tpu.dma_semaphore, #tpu.memory_space<semaphore_mem>>)
          %dma_wait3A = tpu.memref_slice %arg2[%add3A_38] : memref<6400000xi32, #tpu.memory_space<hbm>> -> memref<10000xi32, #tpu.memory_space<hbm>>
          %dma_wait3A_40 = tpu.memref_slice %arg2[%add3A_38] : memref<6400000xi32, #tpu.memory_space<hbm>> -> memref<10000xi32, #tpu.memory_space<hbm>>
          tpu.wait_dma2 semaphore(%run_scoped3A : memref<!tpu.dma_semaphore, #tpu.memory_space<semaphore_mem>>) src(%dma_wait3A_40 : memref<10000xi32, #tpu.memory_space<hbm>>) dst(%arg7 : memref<10000xi32, #tpu.memory_space<vmem>>)
          tpu.yield
        }) : () -> ()
      } else {
      }
      %gt3A = arith.constant 0 : i32
      %gt3A_28 = arith.cmpi sgt, %add3A_14, %gt3A : i32
      %convert_element_type3A_29 = arith.extui %gt3A_28 : i1 to i32
      %cond3A_30 = arith.constant 0 : i32
      %cond3A_31 = arith.cmpi ne, %convert_element_type3A_29, %cond3A_30 : i32
      scf.if %cond3A_31 {
        %mul3A_36 = arith.constant 100000 : i32
        %mul3A_37 = arith.muli %add3A_14, %mul3A_36 : i32
        %add3A_38 = arith.addi %mul3A_37, %mul3A_25 : i32
        "tpu.region"() ({
          %run_scoped3A = tpu.sem_alloc : memref<!tpu.dma_semaphore, #tpu.memory_space<semaphore_mem>>
          %dma_start3A = tpu.memref_slice %arg2[%add3A_38] : memref<6400000xi32, #tpu.memory_space<hbm>> -> memref<10000xi32, #tpu.memory_space<hbm>>
          %dma_start3A_50 = tpu.memref_slice %arg2[%add3A_38] : memref<6400000xi32, #tpu.memory_space<hbm>> -> memref<10000xi32, #tpu.memory_space<hbm>>
          tpu.enqueue_dma source(%dma_start3A_50 : memref<10000xi32, #tpu.memory_space<hbm>>) target(%arg5 : memref<10000xi32, #tpu.memory_space<vmem>>) target_semaphore(%run_scoped3A : memref<!tpu.dma_semaphore, #tpu.memory_space<semaphore_mem>>)
          %dma_wait3A = tpu.memref_slice %arg2[%add3A_38] : memref<6400000xi32, #tpu.memory_space<hbm>> -> memref<10000xi32, #tpu.memory_space<hbm>>
          %dma_wait3A_51 = tpu.memref_slice %arg2[%add3A_38] : memref<6400000xi32, #tpu.memory_space<hbm>> -> memref<10000xi32, #tpu.memory_space<hbm>>
          tpu.wait_dma2 semaphore(%run_scoped3A : memref<!tpu.dma_semaphore, #tpu.memory_space<semaphore_mem>>) src(%dma_wait3A_51 : memref<10000xi32, #tpu.memory_space<hbm>>) dst(%arg5 : memref<10000xi32, #tpu.memory_space<vmem>>)
          tpu.yield
        }) : () -> ()
        %sub3A = arith.constant 1 : i32
        %sub3A_39 = arith.subi %add3A_14, %sub3A : i32
        %mul3A_40 = arith.constant 100000 : i32
        %mul3A_41 = arith.muli %sub3A_39, %mul3A_40 : i32
        %add3A_42 = arith.addi %mul3A_41, %mul3A_25 : i32
        "tpu.region"() ({
          %run_scoped3A = tpu.sem_alloc : memref<!tpu.dma_semaphore, #tpu.memory_space<semaphore_mem>>
          %dma_start3A = tpu.memref_slice %arg3[%add3A_42] : memref<6300000xf32, #tpu.memory_space<hbm>> -> memref<10000xf32, #tpu.memory_space<hbm>>
          %dma_start3A_50 = tpu.memref_slice %arg3[%add3A_42] : memref<6300000xf32, #tpu.memory_space<hbm>> -> memref<10000xf32, #tpu.memory_space<hbm>>
          tpu.enqueue_dma source(%dma_start3A_50 : memref<10000xf32, #tpu.memory_space<hbm>>) target(%arg6 : memref<10000xf32, #tpu.memory_space<vmem>>) target_semaphore(%run_scoped3A : memref<!tpu.dma_semaphore, #tpu.memory_space<semaphore_mem>>)
          %dma_wait3A = tpu.memref_slice %arg3[%add3A_42] : memref<6300000xf32, #tpu.memory_space<hbm>> -> memref<10000xf32, #tpu.memory_space<hbm>>
          %dma_wait3A_51 = tpu.memref_slice %arg3[%add3A_42] : memref<6300000xf32, #tpu.memory_space<hbm>> -> memref<10000xf32, #tpu.memory_space<hbm>>
          tpu.wait_dma2 semaphore(%run_scoped3A : memref<!tpu.dma_semaphore, #tpu.memory_space<semaphore_mem>>) src(%dma_wait3A_51 : memref<10000xf32, #tpu.memory_space<hbm>>) dst(%arg6 : memref<10000xf32, #tpu.memory_space<vmem>>)
          tpu.yield
        }) : () -> ()
        %scan3A_43 = arith.constant 0 : i32
        %scan3A_44 = arith.constant 0 : i32
        %scan3A_45 = arith.constant 625 : i32
        %scan3A_46 = arith.addi %scan3A_44, %scan3A_45 : i32
        %scan3A_47 = arith.constant 1 : i32
        %scan3A_48 = scf.for %scan3A_50 = %scan3A_44 to %scan3A_46 step %scan3A_47 iter_args(%scan3A_51 = %scan3A_43) -> (i32)  : i32 {
          %mul3A_52 = arith.constant 16 : i32
          %mul3A_53 = arith.muli %scan3A_50, %mul3A_52 : i32
          %get3A = arith.index_cast %mul3A_53 : i32 to index
          %get3A_54 = tpu.vector_load %arg6[%get3A] {strides = array<i32>} : memref<10000xf32, #tpu.memory_space<vmem>>, vector<16xf32>,
          %get3A_55 = vector.shape_cast %get3A_54 : vector<16xf32> to vector<16xf32>
          %mul3A_56 = arith.constant 16 : i32
          %mul3A_57 = arith.muli %scan3A_50, %mul3A_56 : i32
          %get3A_58 = arith.index_cast %mul3A_57 : i32 to index
          %get3A_59 = tpu.vector_load %arg5[%get3A_58] {strides = array<i32>} : memref<10000xi32, #tpu.memory_space<vmem>>, vector<16xi32>,
          %get3A_60 = vector.shape_cast %get3A_59 : vector<16xi32> to vector<16xi32>
          %ge3A = arith.constant 0.899999976 : f32
          %ge3A_61 = vector.broadcast %ge3A : f32 to vector<16xf32>
          %ge3A_62 = arith.cmpf oge, %get3A_55, %ge3A_61 : vector<16xf32>
          %broadcast_in_dim3A = arith.constant -1 : i32
          %broadcast_in_dim3A_63 = vector.broadcast %broadcast_in_dim3A : i32 to vector<16xi32>
          %select_n3A = arith.select %ge3A_62, %get3A_60, %broadcast_in_dim3A_63 : vector<16xi1>, vector<16xi32>
          %mul3A_64 = arith.constant 16 : i32
          %mul3A_65 = arith.muli %scan3A_50, %mul3A_64 : i32
          %swap3A = arith.index_cast %mul3A_65 : i32 to index
          %swap3A_66 = tpu.vector_load %arg7[%swap3A] {strides = array<i32>} : memref<10000xi32, #tpu.memory_space<vmem>>, vector<16xi32>,
          %swap3A_67 = vector.shape_cast %swap3A_66 : vector<16xi32> to vector<16xi32>
          %swap3A_68 = vector.shape_cast %select_n3A : vector<16xi32> to vector<16xi32>
          tpu.vector_store %arg7[%swap3A], %swap3A_68 {strides = array<i32>} : memref<10000xi32, #tpu.memory_space<vmem>>, vector<16xi32>,
          %scan3A_69 = arith.constant 0 : i32
          scf.yield %scan3A_69 : i32
        }
        %scan3A_49 = arith.constant 625 : i32
      } else {
      }
      %mul3A_32 = arith.constant 100000 : i32
      %mul3A_33 = arith.muli %add3A_14, %mul3A_32 : i32
      %add3A_34 = arith.addi %mul3A_33, %mul3A_25 : i32
      "tpu.region"() ({
        %run_scoped3A = tpu.sem_alloc : memref<!tpu.dma_semaphore, #tpu.memory_space<semaphore_mem>>
        %dma_start3A = tpu.memref_slice %arg4[%add3A_34] : memref<6400000xi32, #tpu.memory_space<hbm>> -> memref<10000xi32, #tpu.memory_space<hbm>>
        %dma_start3A_36 = tpu.memref_slice %arg4[%add3A_34] : memref<6400000xi32, #tpu.memory_space<hbm>> -> memref<10000xi32, #tpu.memory_space<hbm>>
        tpu.enqueue_dma source(%arg7 : memref<10000xi32, #tpu.memory_space<vmem>>) target(%dma_start3A_36 : memref<10000xi32, #tpu.memory_space<hbm>>) target_semaphore(%run_scoped3A : memref<!tpu.dma_semaphore, #tpu.memory_space<semaphore_mem>>)
        %dma_wait3A = tpu.memref_slice %arg4[%add3A_34] : memref<6400000xi32, #tpu.memory_space<hbm>> -> memref<10000xi32, #tpu.memory_space<hbm>>
        %dma_wait3A_37 = tpu.memref_slice %arg4[%add3A_34] : memref<6400000xi32, #tpu.memory_space<hbm>> -> memref<10000xi32, #tpu.memory_space<hbm>>
        tpu.wait_dma2 semaphore(%run_scoped3A : memref<!tpu.dma_semaphore, #tpu.memory_space<semaphore_mem>>) src(%arg7 : memref<10000xi32, #tpu.memory_space<vmem>>) dst(%dma_wait3A_37 : memref<10000xi32, #tpu.memory_space<hbm>>)
        tpu.yield
      }) : () -> ()
      %scan3A_35 = arith.constant 0 : i32
      scf.yield %scan3A_35 : i32
    }
    %scan3A_21 = arith.constant 10 : i32
    return
  }
}

</mosaic_0001>

<sc_bundles>
// kernel: kernel.3.cloned.1.call-start
scs
__scs_entry_jumppad:
0x0: {  	(pc) =	sbr.rel $0x88, $3  }
0x1: {  	(tag) =	ssettag $0x0;
	lr =	simm.s32 $0x1  }
0x2: {  	[smem:$0x3F9F] =	sst lr;
	_ =	strace $0xD0000000  }
0x3: {  	_ = 	snop  }
0x4: {  	_ = 	snop  }
0x5: {  	_ = 	snop  }
0x6: {  	_ = 	snop  }
0x7: {  	_ = 	snop  }
__scs_overlays_trampoline_lowered:
0x8: {  	[smem:$0x3FAE] =	sst s0  }
0x9: {  	[smem:$0x3FAF] =	sst s1  }
0xa: {  	[smem:$0x3FB0] =	sst s2  }
0xb: {  	[smem:$0x3FB1] =	sst s3  }
0xc: {  	[smem:$0x3FB2] =	sst s4  }
0xd: {  	[smem:$0x3FB3] =	sst s5  }
0xe: {  	[smem:$0x3FB4] =	sst s6  }
0xf: {  	[smem:$0x3FB5] =	sst s7  }
0x10: {  	[smem:$0x3FB6] =	sst s8  }
0x11: {  	[smem:$0x3FB7] =	sst s9;
	s0 =	simm.s32 @!p0 $0x0  }
0x12: {  	s1 =	sld [smem:$0x3F9D];
	s0 =	simm.s32 @p0 $0x1  }
0x13: {  	[smem:$0x3FB8] =	sst s0;
	s0 =	simm.s32 @!p1 $0x0  }
0x14: {  	s2 =	sld [smem:$0x3F9C];
	s0 =	simm.s32 @p1 $0x1  }
0x15: {  	[smem:$0x3FB9] =	sst s0;
	s0 =	simm.s32 @!p2 $0x0  }
0x16: {  	s3 =	sld [smem:$0x3FDB];
	s0 =	simm.s32 @p2 $0x1  }
0x17: {  	s4 =	simm.s32 $0x1BF5;
	[smem:$0x3FBB] =	sst s0  }
0x18: {  	s0 =	sld [smem:$0x3F9E];
	_ =	swait.ge [sflag:s4], $0x0  }
0x19: {  	s7 =	sld [smem:$0x3F9F]  }
0x1a: {  	s8 =	sadd.s32 $0xFFFFE003, lr  }
0x1b: {  	s9 =	sadd.s32 $0xFFFFFEF7, lr;
	s5 =	simm.s32 $0xFFFFFFFF;
	p2 =	slt.u32 s8, $0xFFFFF086  }
0x1c: {  	p1 =	slt.u32 s9, $0xF7A;
	s5 =	simm.s32 @!p2 $0x0  }
0x1d: {  	s5 =	simm.s32 @p1 $0x1;
	p0 =	seq.s32 s7, s2  }
0x1e: {  	s7 =	smul.u32 @!p0 $0xF7A, s2;
	p2 =	seq.s32 @!p0 s5, $0x0  }
0x1f: {  	s9 =	smul.u32 $0xF7A, s1;
	s8 =	simm.s32 @!p0 $0x1BF5;
	p2 =	por !p2, p0  }
0x20: {  	[sflag:s8] =	ssyncset.s32 @!p0 $0xFFFFF086;
	s6 =	sadd.s32 @!p0 s3, s7;
	s7 =	simm.s32 @!p0 $0x108  }
0x21: {  	s3 =	sadd.s32 s3, s9;
	s6 =	sadd.s32 @!p0 $0x88, s6;
	s7 =	simm.s32 @p2 $0x1082  }
0x22: {  	[simem:s7], [sflag:s8] =	dma.local @!p0 [hbm:s6], $0xF7A  }
0x23: {  	s9 =	sor.u32 $0xD0000000, s2;
	s6 =	simm.s32 $0x108;
	_ =	swait.ge @!p0 [sflag:s8], $0x0  }
0x24: {  	s3 =	sadd.s32 $0x88, s3;
	s6 =	simm.s32 @!p1 $0x1082;
	[sflag:s4] =	ssyncset.s32 $0xFFFFF086  }
0x25: {  	[simem:s6], [sflag:s4] =	dma.local [hbm:s3], $0xF7A  }
0x26: {  	[smem:$0x3F9F] =	sst s1;
	(tag) =	ssettag s2;
	_ =	strace s9  }
0x27: {  	s1 =	sld [smem:$0x3FAF]  }
0x28: {  	s2 =	sld [smem:$0x3FB0]  }
0x29: {  	s4 =	sld [smem:$0x3FB2]  }
0x2a: {  	p0 =	seq.s32 s5, $0x0;
	s5 =	sld [smem:$0x3FB3]  }
0x2b: {  	s6 =	sld [smem:$0x3FB4]  }
0x2c: {  	s7 =	sld [smem:$0x3FB5]  }
0x2d: {  	s3 =	simm.s32 $0x108;
	s8 =	sld [smem:$0x3FB6]  }
0x2e: {  	s3 =	simm.s32 @!p0 $0x1082;
	s9 =	sld [smem:$0x3FB7]  }
0x2f: {  	lr =	sadd.s32 s0, s3;
	s0 =	sld [smem:$0x3FAE]  }
0x30: {  	s3 =	sld [smem:$0x3FB1]  }
0x31: {  	[smem:$0x3FBA] =	sst s10  }
0x32: {  	s10 =	sld [smem:$0x3FB8];
	_ =	sdelay $0x3  }
0x33: {  	p0 =	seq.s32 s10, $0x1;
	s10 =	sld [smem:$0x3FBA];
	_ =	sdelay $0x3  }
0x34: {  	[smem:$0x3FBA] =	sst s10  }
0x35: {  	s10 =	sld [smem:$0x3FB9];
	_ =	sdelay $0x3  }
0x36: {  	p1 =	seq.s32 s10, $0x1;
	s10 =	sld [smem:$0x3FBA];
	_ =	sdelay $0x3  }
0x37: {  	[smem:$0x3FBA] =	sst s10  }
0x38: {  	s10 =	sld [smem:$0x3FBB]  }
0x39: {  	_ = 	snop;
	(pc) =	sbr.ind lr, $3  }
0x3a: {  	_ = 	snop  }
0x3b: {  	_ = 	snop  }
0x3c: {  	p2 =	seq.s32 s10, $0x1;
	s10 =	sld [smem:$0x3FBA]  }
0x3d: {  	_ =	shalt  }
0x3e: {  	_ =	shalt  }
0x3f: {  	_ =	shalt  }
0x40: {  	_ =	shalt  }
0x41: {  	_ =	shalt  }
0x42: {  	_ =	shalt  }
0x43: {  	_ =	shalt  }
0x44: {  	_ =	shalt  }
0x45: {  	_ =	shalt  }
0x46: {  	_ =	shalt  }
0x47: {  	_ =	shalt  }
0x48: {  	_ =	shalt  }
0x49: {  	_ =	shalt  }
0x4a: {  	_ =	shalt  }
0x4b: {  	_ =	shalt  }
0x4c: {  	_ =	shalt  }
0x4d: {  	_ =	shalt  }
0x4e: {  	_ =	shalt  }
0x4f: {  	_ =	shalt  }
0x50: {  	_ =	shalt  }
0x51: {  	_ =	shalt  }
0x52: {  	_ =	shalt  }
0x53: {  	_ =	shalt  }
0x54: {  	_ =	shalt  }
0x55: {  	_ =	shalt  }
0x56: {  	_ =	shalt  }
0x57: {  	_ =	shalt  }
0x58: {  	_ =	shalt  }
0x59: {  	_ =	shalt  }
0x5a: {  	_ =	shalt  }
0x5b: {  	_ =	shalt  }
0x5c: {  	_ =	shalt  }
0x5d: {  	_ =	shalt  }
0x5e: {  	_ =	shalt  }
0x5f: {  	_ =	shalt  }
0x60: {  	_ =	shalt  }
0x61: {  	_ =	shalt  }
0x62: {  	_ =	shalt  }
0x63: {  	_ =	shalt  }
0x64: {  	_ =	shalt  }
0x65: {  	_ =	shalt  }
0x66: {  	_ =	shalt  }
0x67: {  	_ =	shalt  }
0x68: {  	_ =	shalt  }
0x69: {  	_ =	shalt  }
0x6a: {  	_ =	shalt  }
0x6b: {  	_ =	shalt  }
0x6c: {  	_ =	shalt  }
0x6d: {  	_ =	shalt  }
0x6e: {  	_ =	shalt  }
0x6f: {  	_ =	shalt  }
0x70: {  	_ =	shalt  }
0x71: {  	_ =	shalt  }
0x72: {  	_ =	shalt  }
0x73: {  	_ =	shalt  }
0x74: {  	_ =	shalt  }
0x75: {  	_ =	shalt  }
0x76: {  	_ =	shalt  }
0x77: {  	_ =	shalt  }
0x78: {  	_ =	shalt  }
0x79: {  	_ =	shalt  }
0x7a: {  	_ =	shalt  }
0x7b: {  	_ =	shalt  }
0x7c: {  	_ =	shalt  }
0x7d: {  	_ =	shalt  }
0x7e: {  	_ =	shalt  }
0x7f: {  	_ =	shalt  }
0x80: {  	_ =	shalt  }
0x81: {  	_ =	shalt  }
0x82: {  	_ =	shalt  }
0x83: {  	_ =	shalt  }
0x84: {  	_ =	shalt  }
0x85: {  	_ =	shalt  }
0x86: {  	_ =	shalt  }
0x87: {  	_ =	shalt  }
.Lfunc_end0:
.L_simem_size_0:
called_computation_lowered:
.L_overlay_start_0:
0x88: {  	s2 =	sld [smem:$0x3FD9]  }
0x89: {  	s3 =	sld [smem:$0x3FFE];
	_ =	sdelay $0x1  }
0x8a: {  	s1 =	srdreg.scid  }
0x8b: {  	s0 =	sand.u32 $0x1, s1  }
0x8c: {  	s17 =	sshll.u32 s0, $0xA;
	s2 =	sadd.s32 s3, s2  }
0x8d: {  	s2 =	sadd.s32 s2, s17  }
0x8e: {  	[smem:$0x3FC6] =	sst s2  }
0x8f: {  	_ = 	snop  }
0x90: {  	s2 =	sld [smem:$0x3FD0];
	(tm) =	ssettm $0x1  }
0x91: {  	s18 =	sld [smem:$0x3FFB];
	_ =	sdelay $0x3  }
0x92: {  	_ =	strace s18  }
0x93: {  	s3 =	sld [smem:$0x3FFC];
	_ =	sdelay $0x3  }
0x94: {  	_ =	strace s3  }
0x95: {  	s3 =	sld [smem:$0x3FFD];
	_ =	sdelay $0x3  }
0x96: {  	_ =	strace s3  }
0x97: {  	_ =	strace $0x8FFFFFFF  }
0x98: {  	s19 =	sld [smem:$0x3FDB];
	_ =	sdelay $0x1  }
0x99: {  	s4 =	simm.s32 $_scs_section_size  }
0x9a: {  	s5 =	simm.s32 $_size__tile_overlayer_lowered;
	s6 =	simm.s32 $_tile_overlayer_lowered  }
0x9b: {  	s22 =	simm.s32 $0x1BFF;
	s21 =	sshll.u32 s6, $0x1;
	s3 =	sadd.s32 s4, s19  }
0x9c: {  	s7 =	simm.s32 $0x0;
	s20 =	sshll.u32 s5, $0x1;
	s5 =	sadd.s32 s21, s3  }
0x9d: {  	[timem:s7], [sflag:s22] =	dma.local [hbm:s5], s20  }
0x9e: {  	_ =	swait.ge [sflag:s22], s20  }
0x9f: {  	s4 =	ssub.s32 $0x0, s20;
	[sflag:s22] =	ssyncset.done $0x0  }
0xa0: {  	[sflag:s22] =	ssyncadd.s32 s4;
	_ =	sdelay $0x1  }
0xa1: {  	s23 =	simm.s32 $0x1B8B  }
0xa2: {  	_ =	swait.ge [sflag:s23], $0x1  }
0xa3: {  	[sflag:s23] =	ssyncset.done $0x0  }
0xa4: {  	s25 =	simm.s32 $0x1B8E;
	s24 =	sld [smem:$0x3FFE];
	[sflag:s23] =	ssyncadd.s32 $0xFFFFFFFF  }
0xa5: {  	s26 =	simm.s32 $execute0_lowered;
	[smem:$0x3FD2] =	sst s25  }
0xa6: {  	s5 =	sshll.u32 s26, $0x1;
	_ =	strace $0x80000046;
	[dreg:$0x1] =	wrdreg $0xFFFFFFFF  }
0xa7: {  	s28 =	simm.s32 $_size_execute0_lowered;
	s3 =	sadd.s32 s3, s5;
	[dreg:$0x0] =	wrdreg $0x0  }
0xa8: {  	s5 =	sshll.u32 s28, $0x1;
	[dreg:$0x2] =	wrdreg s3  }
0xa9: {  	[dreg:$0x3] =	wrdreg s5  }
0xaa: {  	[dreg:$0x4] =	wrdreg $0xC0  }
0xab: {  	_ =	task [dreg:s7], $0x5FFFF  }
0xac: {  	[dreg:$0x1] =	wrdreg $0xFFFFFFFF  }
0xad: {  	[dreg:$0x0] =	wrdreg $0x60  }
0xae: {  	[dreg:$0x2] =	wrdreg s2  }
0xaf: {  	[dreg:$0x3] =	wrdreg s24  }
0xb0: {  	[dreg:$0x4] =	wrdreg $0x9  }
0xb1: {  	_ =	task.clear_ibuf [dreg:s7], $0x5FFFF;
	_ =	strace $0x90000046  }
0xb2: {  	s29 =	simm.s32 $0x9;
	_ =	strace $0x80000048  }
0xb3: {  	_ =	swait.ge [sflag:s29], $0x1  }
0xb4: {  	[sflag:s29] =	ssyncadd.s32 $0xFFFFFFFF  }
0xb5: {  	_ =	strace $0x90000048  }
0xb6: {  	_ =	sfence  }
0xb7: {  	s30 =	sld [smem:$0x0];
	_ =	sdelay $0x2  }
0xb8: {  	s31 =	sshll.u32 s1, $0xD;
	s1 =	sshrl.u32 s1, $0x2  }
0xb9: {  	s3 =	sand.u32 $0x4000, s31;
	s1 =	sadd.s32 s1, s30  }
0xba: {  	s0 =	sor.u32 s3, s0;
	s1 =	sshll.u32 s1, $0x11  }
0xbb: {  	s0 =	sor.u32 s1, s0  }
0xbc: {  	s0 =	sadd.s32 $0x8F2B, s0  }
0xbd: {  	[sflag:s0] =	ssyncadd.remote.s32 $0x1  }
0xbe: {  	_ =	sfence.sel $0xFFFF  }
0xbf: {  	[dreg:$0x0] =	wrdreg $0xFFFFFFFF;
	(pc) =	sbr.abs _section_cstart, $3  }
0xc0: {  	[dreg:$0x1] =	wrdreg $0xFFFFFFFF  }
0xc1: {  	_ =	task.clear_ibuf [dreg:s7], $0x2FFFF;
	_ =	strace $0x9FFFFFFF  }
0xc2: {  	(tm) =	ssettm $0x7FFFFFFF  }
0xc3: {  	_ =	shalt  }
tec
execute0_lowered:
.L_overlay_start_1:
0x0: {  	(tag) =	ssettag $0x1  }
0x1: {  	s2 =	rddreg [dreg:$0x0]  }
0x2: {  	s6 =	rddreg [dreg:$0x1]  }
0x3: {  	s0 =	rddreg [dreg:$0x2];
	s4 =	srdreg.scid  }
0x4: {  	s1 =	stileid.u32;
	s3 =	simm.s32 $0x0;
	s11 =	simm.s32 $0x1  }
0x5: {  	s12 =	simm.s32 $0x2780;
	s4 =	sand.u32 $0x1, s4;
	s5 =	sshll.u32 s1, $0x1  }
0x6: {  	s13 =	simm.s32 $0x0;
	[smem:$0x7FF] =	sst s3;
	s10 =	sor.u32 s4, s5  }
0x7: {  	_ =	strace $0x80000047;
	s7 =	ssub.s32 $0x2, s4;
	s5 =	sadd.s32 $0x400, s6  }
0x8: {  	s6 =	sadd.s32 $0xC0A00, s6;
	s4 =	smul.u32 $0x30D40, s10;
	s8 =	sshrl.u32 s7, $0x1  }
0x9: {  	p0 =	sne.s32 s10, $0x0;
	s10 =	simm.s32 $0x4F00;
	s9 =	ssub.s32 s7, s8  }
0xa: {  	s7 =	sadd.s32 $0xFFFE7960, s4;
	s8 =	sadd.s32 $0x186A0, s4;
	s9 =	smax.u32 s9, $0x1  }
.LBB2_1:
.Ltmp0:
0xb: {  	(pc) =	sbr.rel .LBB2_2-.Ltmp0, $2  }
0xc: {  	_ =	sdelay $0x2  }
0xd: {  	s14 =	simm.s32 $0x0  }
.LBB2_3:
0xe: {  	s15 =	sshrl.u32 s16, $0x3  }
0xf: {  	s16 =	sadd.s32 s2, s15  }
0x10: {  	[tilespmem:s10], [sflag:$0x1] =	stream.linear.gather [hbm4b:s16+s3], $0x2710, $0x38;
	[tilespmem:$0x7680] =	vst v63  }
0x11: {  	_ =	swait.ge [sflag:s11], $0x2710  }
0x12: {  	[sflag:s11] =	ssyncset.done $0x0  }
0x13: {  	[sflag:s11] =	ssyncadd.s32 $0xFFFFD8F0  }
.LBB2_7:
0x14: {  	s14 =	sadd.s32 $0x1, s14  }
0x15: {  	p1 =	sne.s32 s14, $0xA  }
.Ltmp1:
0x16: {  	s16 =	sadd.s32 s6, s15;
	s15 =	simm.s32 $0x0;
	(pc) =	sbr.rel @!p1 .LBB2_8-.Ltmp1, $4  }
0x17: {  	[hbm4b:s16+s15] =	stream.linear.scatter [tilespmem:s10], [sflag:$0x1], $0x2710, $0x38;
	[tilespmem:$0x7680] =	vst v63  }
0x18: {  	_ =	swait.ge [sflag:s11], $0x2710  }
0x19: {  	[sflag:s11] =	ssyncset.done $0x0  }
0x1a: {  	[sflag:s11] =	ssyncadd.s32 $0xFFFFD8F0  }
.LBB2_2:
.Ltmp2:
0x1b: {  	(pc) =	sbr.rel @!p0 .LBB2_3-.Ltmp2, $2  }
0x1c: {  	_ =	sdelay $0x1  }
0x1d: {  	s16 =	smul.u32 $0x2710, s14;
	_ =	sdelay $0x1  }
0x1e: {  	s15 =	sadd.s32 s4, s16  }
0x1f: {  	s15 =	sshrl.u32 s15, $0x3  }
0x20: {  	s18 =	simm.s32 $0x0;
	s17 =	sadd.s32 s2, s15  }
0x21: {  	[tilespmem:s18], [sflag:$0x1] =	stream.linear.gather [hbm4b:s17+s18], $0x2710, $0x38;
	[tilespmem:$0x7680] =	vst v63  }
0x22: {  	s31 =	sadd.s32 s16, s7;
	_ =	swait.ge [sflag:s11], $0x2710  }
0x23: {  	s16 =	sshrl.u32 s31, $0x3;
	[sflag:s11] =	ssyncset.done $0x0  }
0x24: {  	s16 =	sadd.s32 s5, s16;
	[sflag:s11] =	ssyncadd.s32 $0xFFFFD8F0  }
0x25: {  	[tilespmem:s12], [sflag:$0x1] =	stream.linear.gather [hbm4b:s16+s18], $0x2710, $0x38;
	[tilespmem:$0x7680] =	vst v63  }
0x26: {  	_ =	swait.ge [sflag:s11], $0x2710  }
0x27: {  	[sflag:s11] =	ssyncset.done $0x0  }
0x28: {  	s16 =	simm.s32 $0x0;
	[sflag:s11] =	ssyncadd.s32 $0xFFFFD8F0  }
0x29: {  	v0 =	vld [tilespmem:s16+$0x2780]  }
0x2a: {  	s17 =	simm.s32 $0x40;
	v1 =	vld [tilespmem:s16+$0x0]  }
.LBB2_5:
0x2b: {  	p1 =	sne.s32 s17, $0x9C00  }
.Ltmp3:
0x2c: {  	_ = 	snop;
	(pc) =	sbr.rel @p1 .LBB2_5-.Ltmp3, $4  }
0x2d: {  	_ = 	snop  }
0x2e: {  	s18 =	sshra.s32 s17, $0x2;
	s17 =	sadd.s32 $0x40, s17;
	vm0 =	vge.f32 v0, $8.999999760e-01  }
0x2f: {  	v0 =	vld [tilespmem:s18+$0x2780];
	v2 =	vnsel vm0, $0xFFFFFFFF, v1  }
0x30: {  	v1 =	vld [tilespmem:s18+$0x0];
	[tilespmem:s16+$0x4F00] =	vst v2;
	s16 =	smov.u32 s18  }
0x31: {  	_ = 	snop  }
.Ltmp4:
0x32: {  	_ = 	snop;
	(pc) =	sbr.rel .LBB2_7-.Ltmp4, $4  }
0x33: {  	_ = 	snop  }
0x34: {  	vm0 =	vge.f32 v0, $8.999999760e-01  }
0x35: {  	v0 =	vnsel vm0, $0xFFFFFFFF, v1  }
0x36: {  	[tilespmem:s16+$0x4F00] =	vst v0  }
.LBB2_8:
0x37: {  	s14 =	simm.s32 $0x0  }
.LBB2_9:
0x38: {  	s17 =	smul.u32 $0x2710, s14;
	_ =	sdelay $0x1  }
0x39: {  	s16 =	sadd.s32 s17, s8  }
0x3a: {  	s16 =	sshrl.u32 s16, $0x3  }
0x3b: {  	s18 =	sadd.s32 s2, s16  }
0x3c: {  	[tilespmem:s15], [sflag:$0x1] =	stream.linear.gather [hbm4b:s18+s15], $0x2710, $0x38;
	[tilespmem:$0x7680] =	vst v63  }
0x3d: {  	s17 =	sadd.s32 s4, s17;
	_ =	swait.ge [sflag:s11], $0x2710  }
0x3e: {  	s17 =	sshrl.u32 s17, $0x3;
	[sflag:s11] =	ssyncset.done $0x0  }
0x3f: {  	s17 =	sadd.s32 s5, s17;
	[sflag:s11] =	ssyncadd.s32 $0xFFFFD8F0  }
0x40: {  	[tilespmem:s12], [sflag:$0x1] =	stream.linear.gather [hbm4b:s17+s15], $0x2710, $0x38;
	[tilespmem:$0x7680] =	vst v63  }
0x41: {  	_ =	swait.ge [sflag:s11], $0x2710  }
0x42: {  	[sflag:s11] =	ssyncset.done $0x0  }
0x43: {  	s17 =	simm.s32 $0x0;
	[sflag:s11] =	ssyncadd.s32 $0xFFFFD8F0  }
0x44: {  	v0 =	vld [tilespmem:s17+$0x2780]  }
0x45: {  	s18 =	simm.s32 $0x40;
	v1 =	vld [tilespmem:s17+$0x0]  }
.LBB2_10:
0x46: {  	p1 =	sne.s32 s18, $0x9C00  }
.Ltmp5:
0x47: {  	_ = 	snop;
	(pc) =	sbr.rel @p1 .LBB2_10-.Ltmp5, $4  }
0x48: {  	_ = 	snop  }
0x49: {  	s19 =	sshra.s32 s18, $0x2;
	s18 =	sadd.s32 $0x40, s18;
	vm0 =	vge.f32 v0, $8.999999760e-01  }
0x4a: {  	v0 =	vld [tilespmem:s19+$0x2780];
	v2 =	vnsel vm0, $0xFFFFFFFF, v1  }
0x4b: {  	v1 =	vld [tilespmem:s19+$0x0];
	[tilespmem:s17+$0x4F00] =	vst v2;
	s17 =	smov.u32 s19  }
0x4c: {  	_ =	sdelay $0x2  }
0x4d: {  	s14 =	sadd.s32 $0x1, s14;
	vm0 =	vge.f32 v0, $8.999999760e-01  }
0x4e: {  	p1 =	sne.s32 s14, $0xA;
	v0 =	vnsel vm0, $0xFFFFFFFF, v1  }
.Ltmp6:
0x4f: {  	s16 =	sadd.s32 s6, s16;
	[tilespmem:s17+$0x4F00] =	vst v0;
	(pc) =	sbr.rel @p1 .LBB2_9-.Ltmp6, $4  }
0x50: {  	[hbm4b:s16+s3] =	stream.linear.scatter [tilespmem:s10], [sflag:$0x1], $0x2710, $0x38;
	[tilespmem:$0x7680] =	vst v63  }
0x51: {  	_ =	swait.ge [sflag:s11], $0x2710  }
0x52: {  	[sflag:s11] =	ssyncset.done $0x0  }
0x53: {  	[sflag:s11] =	ssyncadd.s32 $0xFFFFD8F0  }
0x54: {  	s13 =	sadd.s32 $0x1, s13  }
0x55: {  	p1 =	sne.s32 s13, s9  }
.Ltmp7:
0x56: {  	_ = 	snop;
	(pc) =	sbr.rel @p1 .LBB2_1-.Ltmp7, $1  }
0x57: {  	_ =	sdelay $0x3  }
0x58: {  	_ =	sfence.sel $0x180000  }
0x59: {  	[bflag:$0x0] =	sbarrier.arrive $0xFFFF  }
0x5a: {  	p0 =	sne.s32 s1, $0x0;
	_ =	strace $0x90000047  }
0x5b: {  	s0 =	sadd.s32 @!p0 $0x100000, s0;
	[bflag:$0x2] =	sbarrier.arrive $0xFFFF  }
0x5c: {  	[sflag:s0] =	ssyncadd.tile.s32 @!p0 $0x1;
	_ =	shalt  }
.Lfunc_end2:
_tile_overlayer_lowered:
.L_overlay_start_2:
0x5d: {  	(tag) =	ssettag $0x2  }
0x5e: {  	s0 =	rddreg [dreg:$0x0];
	s2 =	stileid.u32  }
0x5f: {  	s1 =	rddreg [dreg:$0x1];
	p0 =	sne.s32 s2, $0x0  }
0x60: {  	s3 =	rddreg [dreg:$0x2];
	[bflag:$0x3] =	sbarrier.arrive $0xFFFF;
	s2 =	simm.s32 @!p0 $0x1C01  }
0x61: {  	[timem:s3], [sflag:s2] =	dma.local @!p0 [hbm:s0], s1  }
0x62: {  	s0 =	simm.s32 @!p0 $0x1  }
0x63: {  	_ =	swait.ge @!p0 [sflag:s0], s1  }
0x64: {  	s1 =	ssub.s32 @!p0 $0x0, s1;
	[sflag:s0] =	ssyncset.done @!p0 $0x0  }
0x65: {  	[sflag:s0] =	ssyncadd.s32 @!p0 s1  }
0x66: {  	[bflag:$0x3] =	sbarrier.arrive $0xFFFF  }
0x67: {  	_ =	shalt  }

</sc_bundles>
